<compile_context>
chip_gen: v7x
topology: tpu7x:2x2x1
jax: 0.10.2.dev20260603
libtpu: 0.0.44.dev20260713+nightly
codegen_flags: <defaults>
</compile_context>

<pallas_src>
import functools

import jax
import jax.numpy as jnp
from jax import lax
from jax.experimental import pallas as pl
from jax.experimental.pallas import tpu as pltpu
from jax.experimental.pallas import tpu_sc as plsc

D = 1024
LANES = 16


def kernel(input_tensor, token_type_ids, token_type_table):
    b, s, e = input_tensor.shape
    n = b * s
    x2 = input_tensor.reshape(n, e)
    ids = token_type_ids.reshape(n).astype(jnp.int32)

    nw = 32
    rows_pw = n // nw
    chunk = 32
    n_chunks = rows_pw // chunk

    mesh = plsc.VectorSubcoreMesh(core_axis_name="c", subcore_axis_name="s")

    @functools.partial(
        pl.kernel,
        mesh=mesh,
        out_type=jax.ShapeDtypeStruct((n, e), jnp.float32),
        scratch_types=[
            pltpu.VMEM((chunk,), jnp.int32),
            pltpu.VMEM((chunk, e), jnp.float32),
            pltpu.VMEM((chunk, e), jnp.float32),
            pltpu.SemaphoreType.DMA,
        ],
    )
    def run(x_hbm, ids_hbm, tbl_hbm, out_hbm, ids_v, in_v, rows_v, sem):
        wid = lax.axis_index("s") * 2 + lax.axis_index("c")
        base = wid * rows_pw

        def chunk_body(ci, _):
            r0 = base + ci * chunk
            pltpu.sync_copy(ids_hbm.at[pl.ds(r0, chunk)], ids_v)
            gather = pltpu.async_copy(tbl_hbm.at[ids_v], rows_v, sem)
            pltpu.sync_copy(x_hbm.at[pl.ds(r0, chunk)], in_v)
            gather.wait()

            def row_body(r, _):
                def col_body(c, _):
                    sl = pl.ds(c * LANES, LANES)
                    in_v[r, sl] = in_v[r, sl] + rows_v[r, sl]
                    return 0

                return lax.fori_loop(0, e // LANES, col_body, 0)

            lax.fori_loop(0, chunk, row_body, 0)
            pltpu.sync_copy(in_v, out_hbm.at[pl.ds(r0, chunk)])
            return 0

        lax.fori_loop(0, n_chunks, chunk_body, 0)

    out = run(x2, ids, token_type_table)
    return out.reshape(b, s, e)

# --- scband reference (transcript-rebuilt; emitter-appended) ---
"""Pipeline reference for scband-token-type-embedding-13606456394575 (READ-ONLY COPY).

The authoritative reference and input builder live on the scoring server;
editing this copy changes nothing except your own understanding.
"""

import jax, jax.numpy as jnp
import numpy as np

TOKEN_TYPE_VOCAB_SIZE = 16
EMBEDDING_SIZE = 1024

def setup_inputs(seed: int = 0) -> dict:
    key = jax.random.key(seed)
    k1, k2, k3 = jax.random.split(key, 3)
    input_tensor = jax.random.normal(k1, (4, 8192, 1024), dtype=jnp.float32)
    token_type_ids = jax.random.randint(k2, (4, 8192), 0, TOKEN_TYPE_VOCAB_SIZE, dtype=jnp.int64 if jax.config.jax_enable_x64 else jnp.int32)
    token_type_table = jax.random.normal(k3, (TOKEN_TYPE_VOCAB_SIZE, EMBEDDING_SIZE), dtype=jnp.float32) * 0.02
    return {"input_tensor": input_tensor, "token_type_ids": token_type_ids, "token_type_table": token_type_table}

def reference(input_tensor, token_type_ids, token_type_table):
    # Faithful translation of the TF module: flatten ids, one-hot, matmul with table,
    # reshape back to input shape, then residual add.
    b, s, e = input_tensor.shape
    flat_token_type_ids = jnp.reshape(token_type_ids, (-1,))
    one_hot_ids = jax.nn.one_hot(flat_token_type_ids, TOKEN_TYPE_VOCAB_SIZE, dtype=token_type_table.dtype)
    token_type_embedding = jnp.matmul(one_hot_ids, token_type_table)
    token_type_embedding = jnp.reshape(token_type_embedding, (b, s, e))
    return input_tensor + token_type_embedding

if __name__ == "__main__":
    import jax
    _d = setup_inputs()
    print(jax.jit(kernel)(*tuple(_d.values())))

</pallas_src>

<mosaic_0001>
#map = affine_map<(d0, d1) -> (0, 0)>
#map1 = affine_map<(d0, d1) -> (0)>
module attributes {stable_mosaic.version = 14 : i64} {
  func.func @run(%arg0: i32, %arg1: i32, %arg2: memref<32768x1024xf32, #tpu.memory_space<hbm>>, %arg3: memref<32768xi32, #tpu.memory_space<hbm>>, %arg4: memref<16x1024xf32, #tpu.memory_space<hbm>>, %arg5: memref<32768x1024xf32, #tpu.memory_space<hbm>>, %arg6: memref<32xi32, #tpu.memory_space<vmem>>, %arg7: memref<32x1024xf32, #tpu.memory_space<vmem>>, %arg8: memref<32x1024xf32, #tpu.memory_space<vmem>>, %arg9: memref<!tpu.dma_semaphore, #tpu.memory_space<semaphore_mem>>) attributes {dimension_semantics = [#tpu.dimension_semantics<core_parallel>, #tpu.dimension_semantics<subcore_parallel>], iteration_bounds = array<i64: 2, 16>, scalar_prefetch = 0 : i64, scratch_operands = 4 : i64, tpu.core_type = #tpu.core_type<sc_vector_subcore>, window_params = [{transform_indices = #map}, {transform_indices = #map1}, {transform_indices = #map}, {transform_indices = #map}]} {
    %mul3A = arith.constant 2 : i32
    %mul3A_0 = arith.muli %arg1, %mul3A : i32
    %add3A = arith.addi %mul3A_0, %arg0 : i32
    %mul3A_1 = arith.constant 1024 : i32
    %mul3A_2 = arith.muli %add3A, %mul3A_1 : i32
    %scan3A = arith.constant 0 : i32
    %scan3A_3 = arith.constant 0 : i32
    %scan3A_4 = arith.constant 32 : i32
    %scan3A_5 = arith.addi %scan3A_3, %scan3A_4 : i32
    %scan3A_6 = arith.constant 1 : i32
    %scan3A_7 = scf.for %scan3A_9 = %scan3A_3 to %scan3A_5 step %scan3A_6 iter_args(%scan3A_10 = %scan3A) -> (i32)  : i32 {
      %mul3A_11 = arith.constant 32 : i32
      %mul3A_12 = arith.muli %scan3A_9, %mul3A_11 : i32
      %add3A_13 = arith.addi %mul3A_2, %mul3A_12 : i32
      "tpu.region"() ({
        %run_scoped3A = tpu.sem_alloc : memref<!tpu.dma_semaphore, #tpu.memory_space<semaphore_mem>>
        %dma_start3A_26 = tpu.memref_slice %arg3[%add3A_13] : memref<32768xi32, #tpu.memory_space<hbm>> -> memref<32xi32, #tpu.memory_space<hbm>>
        %dma_start3A_27 = tpu.memref_slice %arg3[%add3A_13] : memref<32768xi32, #tpu.memory_space<hbm>> -> memref<32xi32, #tpu.memory_space<hbm>>
        tpu.enqueue_dma source(%dma_start3A_27 : memref<32xi32, #tpu.memory_space<hbm>>) target(%arg6 : memref<32xi32, #tpu.memory_space<vmem>>) target_semaphore(%run_scoped3A : memref<!tpu.dma_semaphore, #tpu.memory_space<semaphore_mem>>)
        %dma_wait3A_28 = tpu.memref_slice %arg3[%add3A_13] : memref<32768xi32, #tpu.memory_space<hbm>> -> memref<32xi32, #tpu.memory_space<hbm>>
        %dma_wait3A_29 = tpu.memref_slice %arg3[%add3A_13] : memref<32768xi32, #tpu.memory_space<hbm>> -> memref<32xi32, #tpu.memory_space<hbm>>
        tpu.wait_dma2 semaphore(%run_scoped3A : memref<!tpu.dma_semaphore, #tpu.memory_space<semaphore_mem>>) src(%dma_wait3A_29 : memref<32xi32, #tpu.memory_space<hbm>>) dst(%arg6 : memref<32xi32, #tpu.memory_space<vmem>>)
        tpu.yield
      }) : () -> ()
      %dma_start3A = arith.constant 0 : i32
      %dma_start3A_14 = arith.constant 0 : i32
      %dma_start3A_15 = tpu.memref_slice %arg4[%dma_start3A, %dma_start3A_14] : memref<16x1024xf32, #tpu.memory_space<hbm>> -> memref<16x1024xf32, #tpu.memory_space<hbm>>
      tpu.enqueue_indirect_dma source(%dma_start3A_15 : memref<16x1024xf32, #tpu.memory_space<hbm>>) target(%arg8 : memref<32x1024xf32, #tpu.memory_space<vmem>>) offsets(%arg6 : memref<32xi32, #tpu.memory_space<vmem>>) semaphore(%arg9 : memref<!tpu.dma_semaphore, #tpu.memory_space<semaphore_mem>>)
      "tpu.region"() ({
        %run_scoped3A = tpu.sem_alloc : memref<!tpu.dma_semaphore, #tpu.memory_space<semaphore_mem>>
        %dma_start3A_26 = arith.constant 0 : i32
        %dma_start3A_27 = tpu.memref_slice %arg2[%add3A_13, %dma_start3A_26] : memref<32768x1024xf32, #tpu.memory_space<hbm>> -> memref<32x1024xf32, #tpu.memory_space<hbm>>
        %dma_start3A_28 = arith.constant 0 : i32
        %dma_start3A_29 = tpu.memref_slice %arg2[%add3A_13, %dma_start3A_28] : memref<32768x1024xf32, #tpu.memory_space<hbm>> -> memref<32x1024xf32, #tpu.memory_space<hbm>>
        tpu.enqueue_dma source(%dma_start3A_29 : memref<32x1024xf32, #tpu.memory_space<hbm>>) target(%arg7 : memref<32x1024xf32, #tpu.memory_space<vmem>>) target_semaphore(%run_scoped3A : memref<!tpu.dma_semaphore, #tpu.memory_space<semaphore_mem>>)
        %dma_wait3A_30 = arith.constant 0 : i32
        %dma_wait3A_31 = tpu.memref_slice %arg2[%add3A_13, %dma_wait3A_30] : memref<32768x1024xf32, #tpu.memory_space<hbm>> -> memref<32x1024xf32, #tpu.memory_space<hbm>>
        %dma_wait3A_32 = arith.constant 0 : i32
        %dma_wait3A_33 = tpu.memref_slice %arg2[%add3A_13, %dma_wait3A_32] : memref<32768x1024xf32, #tpu.memory_space<hbm>> -> memref<32x1024xf32, #tpu.memory_space<hbm>>
        tpu.wait_dma2 semaphore(%run_scoped3A : memref<!tpu.dma_semaphore, #tpu.memory_space<semaphore_mem>>) src(%dma_wait3A_33 : memref<32x1024xf32, #tpu.memory_space<hbm>>) dst(%arg7 : memref<32x1024xf32, #tpu.memory_space<vmem>>)
        tpu.yield
      }) : () -> ()
      %dma_wait3A = arith.constant 0 : i32
      %dma_wait3A_16 = arith.constant 0 : i32
      %dma_wait3A_17 = tpu.memref_slice %arg4[%dma_wait3A, %dma_wait3A_16] : memref<16x1024xf32, #tpu.memory_space<hbm>> -> memref<16x1024xf32, #tpu.memory_space<hbm>>
      tpu.wait_indirect_dma semaphore(%arg9 : memref<!tpu.dma_semaphore, #tpu.memory_space<semaphore_mem>>) src(%dma_wait3A_17 : memref<16x1024xf32, #tpu.memory_space<hbm>>) dst(%arg8 : memref<32x1024xf32, #tpu.memory_space<vmem>>)
      %scan3A_18 = arith.constant 0 : i32
      %scan3A_19 = arith.constant 0 : i32
      %scan3A_20 = arith.constant 32 : i32
      %scan3A_21 = arith.addi %scan3A_19, %scan3A_20 : i32
      %scan3A_22 = arith.constant 1 : i32
      %scan3A_23 = scf.for %scan3A_26 = %scan3A_19 to %scan3A_21 step %scan3A_22 iter_args(%scan3A_27 = %scan3A_18) -> (i32)  : i32 {
        %scan3A_28 = arith.constant 0 : i32
        %scan3A_29 = arith.constant 0 : i32
        %scan3A_30 = arith.constant 64 : i32
        %scan3A_31 = arith.addi %scan3A_29, %scan3A_30 : i32
        %scan3A_32 = arith.constant 1 : i32
        %scan3A_33 = scf.for %scan3A_35 = %scan3A_29 to %scan3A_31 step %scan3A_32 iter_args(%scan3A_36 = %scan3A_28) -> (i32)  : i32 {
          %mul3A_37 = arith.constant 16 : i32
          %mul3A_38 = arith.muli %scan3A_35, %mul3A_37 : i32
          %get3A = arith.index_cast %scan3A_26 : i32 to index
          %get3A_39 = arith.index_cast %mul3A_38 : i32 to index
          %get3A_40 = tpu.vector_load %arg7[%get3A, %get3A_39] {strides = array<i32>} : memref<32x1024xf32, #tpu.memory_space<vmem>>, vector<1x16xf32>,
          %get3A_41 = vector.shape_cast %get3A_40 : vector<1x16xf32> to vector<16xf32>
          %get3A_42 = arith.index_cast %scan3A_26 : i32 to index
          %get3A_43 = arith.index_cast %mul3A_38 : i32 to index
          %get3A_44 = tpu.vector_load %arg8[%get3A_42, %get3A_43] {strides = array<i32>} : memref<32x1024xf32, #tpu.memory_space<vmem>>, vector<1x16xf32>,
          %get3A_45 = vector.shape_cast %get3A_44 : vector<1x16xf32> to vector<16xf32>
          %add3A_46 = arith.addf %get3A_41, %get3A_45 : vector<16xf32>
          %swap3A = arith.index_cast %scan3A_26 : i32 to index
          %swap3A_47 = arith.index_cast %mul3A_38 : i32 to index
          %swap3A_48 = tpu.vector_load %arg7[%swap3A, %swap3A_47] {strides = array<i32>} : memref<32x1024xf32, #tpu.memory_space<vmem>>, vector<1x16xf32>,
          %swap3A_49 = vector.shape_cast %swap3A_48 : vector<1x16xf32> to vector<16xf32>
          %swap3A_50 = vector.shape_cast %add3A_46 : vector<16xf32> to vector<1x16xf32>
          tpu.vector_store %arg7[%swap3A, %swap3A_47], %swap3A_50 {strides = array<i32>} : memref<32x1024xf32, #tpu.memory_space<vmem>>, vector<1x16xf32>,
          %scan3A_51 = arith.constant 0 : i32
          scf.yield %scan3A_51 : i32
        }
        %scan3A_34 = arith.constant 64 : i32
        scf.yield %scan3A_33 : i32
      }
      %scan3A_24 = arith.constant 32 : i32
      "tpu.region"() ({
        %run_scoped3A = tpu.sem_alloc : memref<!tpu.dma_semaphore, #tpu.memory_space<semaphore_mem>>
        %dma_start3A_26 = arith.constant 0 : i32
        %dma_start3A_27 = tpu.memref_slice %arg5[%add3A_13, %dma_start3A_26] : memref<32768x1024xf32, #tpu.memory_space<hbm>> -> memref<32x1024xf32, #tpu.memory_space<hbm>>
        %dma_start3A_28 = arith.constant 0 : i32
        %dma_start3A_29 = tpu.memref_slice %arg5[%add3A_13, %dma_start3A_28] : memref<32768x1024xf32, #tpu.memory_space<hbm>> -> memref<32x1024xf32, #tpu.memory_space<hbm>>
        tpu.enqueue_dma source(%arg7 : memref<32x1024xf32, #tpu.memory_space<vmem>>) target(%dma_start3A_29 : memref<32x1024xf32, #tpu.memory_space<hbm>>) target_semaphore(%run_scoped3A : memref<!tpu.dma_semaphore, #tpu.memory_space<semaphore_mem>>)
        %dma_wait3A_30 = arith.constant 0 : i32
        %dma_wait3A_31 = tpu.memref_slice %arg5[%add3A_13, %dma_wait3A_30] : memref<32768x1024xf32, #tpu.memory_space<hbm>> -> memref<32x1024xf32, #tpu.memory_space<hbm>>
        %dma_wait3A_32 = arith.constant 0 : i32
        %dma_wait3A_33 = tpu.memref_slice %arg5[%add3A_13, %dma_wait3A_32] : memref<32768x1024xf32, #tpu.memory_space<hbm>> -> memref<32x1024xf32, #tpu.memory_space<hbm>>
        tpu.wait_dma2 semaphore(%run_scoped3A : memref<!tpu.dma_semaphore, #tpu.memory_space<semaphore_mem>>) src(%arg7 : memref<32x1024xf32, #tpu.memory_space<vmem>>) dst(%dma_wait3A_33 : memref<32x1024xf32, #tpu.memory_space<hbm>>)
        tpu.yield
      }) : () -> ()
      %scan3A_25 = arith.constant 0 : i32
      scf.yield %scan3A_25 : i32
    }
    %scan3A_8 = arith.constant 32 : i32
    return
  }
}

</mosaic_0001>

<sc_bundles>
// kernel: kernel.3.cloned.1.call-start
scs
__scs_entry_jumppad:
0x0: {  	(pc) =	sbr.rel $0x88, $3  }
0x1: {  	(tag) =	ssettag $0x0;
	lr =	simm.s32 $0x1  }
0x2: {  	[smem:$0x3F9E] =	sst lr;
	_ =	strace $0xD0000000  }
0x3: {  	_ = 	snop  }
0x4: {  	_ = 	snop  }
0x5: {  	_ = 	snop  }
0x6: {  	_ = 	snop  }
0x7: {  	_ = 	snop  }
__scs_overlays_trampoline_lowered:
0x8: {  	[smem:$0x3FAD] =	sst s0  }
0x9: {  	[smem:$0x3FAE] =	sst s1  }
0xa: {  	[smem:$0x3FAF] =	sst s2  }
0xb: {  	[smem:$0x3FB0] =	sst s3  }
0xc: {  	[smem:$0x3FB1] =	sst s4  }
0xd: {  	[smem:$0x3FB2] =	sst s5  }
0xe: {  	[smem:$0x3FB3] =	sst s6  }
0xf: {  	[smem:$0x3FB4] =	sst s7  }
0x10: {  	[smem:$0x3FB5] =	sst s8  }
0x11: {  	[smem:$0x3FB6] =	sst s9;
	s0 =	simm.s32 @!p0 $0x0  }
0x12: {  	s1 =	sld [smem:$0x3F9C];
	s0 =	simm.s32 @p0 $0x1  }
0x13: {  	[smem:$0x3FB7] =	sst s0;
	s0 =	simm.s32 @!p1 $0x0  }
0x14: {  	s2 =	sld [smem:$0x3F9B];
	s0 =	simm.s32 @p1 $0x1  }
0x15: {  	[smem:$0x3FB8] =	sst s0;
	s0 =	simm.s32 @!p2 $0x0  }
0x16: {  	s3 =	sld [smem:$0x3FDB];
	s0 =	simm.s32 @p2 $0x1  }
0x17: {  	s4 =	simm.s32 $0x1BF5;
	[smem:$0x3FBA] =	sst s0  }
0x18: {  	s0 =	sld [smem:$0x3F9D];
	_ =	swait.ge [sflag:s4], $0x0  }
0x19: {  	s7 =	sld [smem:$0x3F9E]  }
0x1a: {  	s8 =	sadd.s32 $0xFFFFE003, lr  }
0x1b: {  	s9 =	sadd.s32 $0xFFFFFEF7, lr;
	s5 =	simm.s32 $0xFFFFFFFF;
	p2 =	slt.u32 s8, $0xFFFFF086  }
0x1c: {  	p1 =	slt.u32 s9, $0xF7A;
	s5 =	simm.s32 @!p2 $0x0  }
0x1d: {  	s5 =	simm.s32 @p1 $0x1;
	p0 =	seq.s32 s7, s2  }
0x1e: {  	s7 =	smul.u32 @!p0 $0xF7A, s2;
	p2 =	seq.s32 @!p0 s5, $0x0  }
0x1f: {  	s9 =	smul.u32 $0xF7A, s1;
	s8 =	simm.s32 @!p0 $0x1BF5;
	p2 =	por !p2, p0  }
0x20: {  	[sflag:s8] =	ssyncset.s32 @!p0 $0xFFFFF086;
	s6 =	sadd.s32 @!p0 s3, s7;
	s7 =	simm.s32 @!p0 $0x108  }
0x21: {  	s3 =	sadd.s32 s3, s9;
	s6 =	sadd.s32 @!p0 $0x88, s6;
	s7 =	simm.s32 @p2 $0x1082  }
0x22: {  	[simem:s7], [sflag:s8] =	dma.local @!p0 [hbm:s6], $0xF7A  }
0x23: {  	s9 =	sor.u32 $0xD0000000, s2;
	s6 =	simm.s32 $0x108;
	_ =	swait.ge @!p0 [sflag:s8], $0x0  }
0x24: {  	s3 =	sadd.s32 $0x88, s3;
	s6 =	simm.s32 @!p1 $0x1082;
	[sflag:s4] =	ssyncset.s32 $0xFFFFF086  }
0x25: {  	[simem:s6], [sflag:s4] =	dma.local [hbm:s3], $0xF7A  }
0x26: {  	[smem:$0x3F9E] =	sst s1;
	(tag) =	ssettag s2;
	_ =	strace s9  }
0x27: {  	s1 =	sld [smem:$0x3FAE]  }
0x28: {  	s2 =	sld [smem:$0x3FAF]  }
0x29: {  	s4 =	sld [smem:$0x3FB1]  }
0x2a: {  	p0 =	seq.s32 s5, $0x0;
	s5 =	sld [smem:$0x3FB2]  }
0x2b: {  	s6 =	sld [smem:$0x3FB3]  }
0x2c: {  	s7 =	sld [smem:$0x3FB4]  }
0x2d: {  	s3 =	simm.s32 $0x108;
	s8 =	sld [smem:$0x3FB5]  }
0x2e: {  	s3 =	simm.s32 @!p0 $0x1082;
	s9 =	sld [smem:$0x3FB6]  }
0x2f: {  	lr =	sadd.s32 s0, s3;
	s0 =	sld [smem:$0x3FAD]  }
0x30: {  	s3 =	sld [smem:$0x3FB0]  }
0x31: {  	[smem:$0x3FB9] =	sst s10  }
0x32: {  	s10 =	sld [smem:$0x3FB7];
	_ =	sdelay $0x3  }
0x33: {  	p0 =	seq.s32 s10, $0x1;
	s10 =	sld [smem:$0x3FB9];
	_ =	sdelay $0x3  }
0x34: {  	[smem:$0x3FB9] =	sst s10  }
0x35: {  	s10 =	sld [smem:$0x3FB8];
	_ =	sdelay $0x3  }
0x36: {  	p1 =	seq.s32 s10, $0x1;
	s10 =	sld [smem:$0x3FB9];
	_ =	sdelay $0x3  }
0x37: {  	[smem:$0x3FB9] =	sst s10  }
0x38: {  	s10 =	sld [smem:$0x3FBA]  }
0x39: {  	_ = 	snop;
	(pc) =	sbr.ind lr, $3  }
0x3a: {  	_ = 	snop  }
0x3b: {  	_ = 	snop  }
0x3c: {  	p2 =	seq.s32 s10, $0x1;
	s10 =	sld [smem:$0x3FB9]  }
0x3d: {  	_ =	shalt  }
0x3e: {  	_ =	shalt  }
0x3f: {  	_ =	shalt  }
0x40: {  	_ =	shalt  }
0x41: {  	_ =	shalt  }
0x42: {  	_ =	shalt  }
0x43: {  	_ =	shalt  }
0x44: {  	_ =	shalt  }
0x45: {  	_ =	shalt  }
0x46: {  	_ =	shalt  }
0x47: {  	_ =	shalt  }
0x48: {  	_ =	shalt  }
0x49: {  	_ =	shalt  }
0x4a: {  	_ =	shalt  }
0x4b: {  	_ =	shalt  }
0x4c: {  	_ =	shalt  }
0x4d: {  	_ =	shalt  }
0x4e: {  	_ =	shalt  }
0x4f: {  	_ =	shalt  }
0x50: {  	_ =	shalt  }
0x51: {  	_ =	shalt  }
0x52: {  	_ =	shalt  }
0x53: {  	_ =	shalt  }
0x54: {  	_ =	shalt  }
0x55: {  	_ =	shalt  }
0x56: {  	_ =	shalt  }
0x57: {  	_ =	shalt  }
0x58: {  	_ =	shalt  }
0x59: {  	_ =	shalt  }
0x5a: {  	_ =	shalt  }
0x5b: {  	_ =	shalt  }
0x5c: {  	_ =	shalt  }
0x5d: {  	_ =	shalt  }
0x5e: {  	_ =	shalt  }
0x5f: {  	_ =	shalt  }
0x60: {  	_ =	shalt  }
0x61: {  	_ =	shalt  }
0x62: {  	_ =	shalt  }
0x63: {  	_ =	shalt  }
0x64: {  	_ =	shalt  }
0x65: {  	_ =	shalt  }
0x66: {  	_ =	shalt  }
0x67: {  	_ =	shalt  }
0x68: {  	_ =	shalt  }
0x69: {  	_ =	shalt  }
0x6a: {  	_ =	shalt  }
0x6b: {  	_ =	shalt  }
0x6c: {  	_ =	shalt  }
0x6d: {  	_ =	shalt  }
0x6e: {  	_ =	shalt  }
0x6f: {  	_ =	shalt  }
0x70: {  	_ =	shalt  }
0x71: {  	_ =	shalt  }
0x72: {  	_ =	shalt  }
0x73: {  	_ =	shalt  }
0x74: {  	_ =	shalt  }
0x75: {  	_ =	shalt  }
0x76: {  	_ =	shalt  }
0x77: {  	_ =	shalt  }
0x78: {  	_ =	shalt  }
0x79: {  	_ =	shalt  }
0x7a: {  	_ =	shalt  }
0x7b: {  	_ =	shalt  }
0x7c: {  	_ =	shalt  }
0x7d: {  	_ =	shalt  }
0x7e: {  	_ =	shalt  }
0x7f: {  	_ =	shalt  }
0x80: {  	_ =	shalt  }
0x81: {  	_ =	shalt  }
0x82: {  	_ =	shalt  }
0x83: {  	_ =	shalt  }
0x84: {  	_ =	shalt  }
0x85: {  	_ =	shalt  }
0x86: {  	_ =	shalt  }
0x87: {  	_ =	shalt  }
.Lfunc_end0:
.L_simem_size_0:
called_computation_lowered:
.L_overlay_start_0:
0x88: {  	s2 =	sld [smem:$0x3FD9]  }
0x89: {  	s3 =	sld [smem:$0x3FFE];
	_ =	sdelay $0x1  }
0x8a: {  	s1 =	srdreg.scid  }
0x8b: {  	s0 =	sand.u32 $0x1, s1  }
0x8c: {  	s17 =	sshll.u32 s0, $0xA;
	s2 =	sadd.s32 s3, s2  }
0x8d: {  	s2 =	sadd.s32 s2, s17  }
0x8e: {  	[smem:$0x3FC5] =	sst s2  }
0x8f: {  	_ = 	snop  }
0x90: {  	s2 =	sld [smem:$0x3FC9]  }
0x91: {  	s18 =	sld [smem:$0x3FC7]  }
0x92: {  	s4 =	sld [smem:$0x3FD0];
	(tm) =	ssettm $0x1  }
0x93: {  	s5 =	sld [smem:$0x3FFB];
	_ =	sdelay $0x3  }
0x94: {  	_ =	strace s5  }
0x95: {  	s5 =	sld [smem:$0x3FFC];
	_ =	sdelay $0x3  }
0x96: {  	_ =	strace s5  }
0x97: {  	s5 =	sld [smem:$0x3FFD];
	_ =	sdelay $0x3  }
0x98: {  	_ =	strace s5  }
0x99: {  	_ =	strace $0x8FFFFFFF  }
0x9a: {  	s19 =	sld [smem:$0x3FDB];
	_ =	sdelay $0x1  }
0x9b: {  	s6 =	simm.s32 $_scs_section_size  }
0x9c: {  	s7 =	simm.s32 $_size__tile_overlayer_lowered;
	s8 =	simm.s32 $_tile_overlayer_lowered  }
0x9d: {  	s22 =	simm.s32 $0x1BFF;
	s21 =	sshll.u32 s8, $0x1;
	s5 =	sadd.s32 s6, s19  }
0x9e: {  	s9 =	simm.s32 $0x0;
	s20 =	sshll.u32 s7, $0x1;
	s7 =	sadd.s32 s21, s5  }
0x9f: {  	[timem:s9], [sflag:s22] =	dma.local [hbm:s7], s20  }
0xa0: {  	_ =	swait.ge [sflag:s22], s20  }
0xa1: {  	s6 =	ssub.s32 $0x0, s20;
	[sflag:s22] =	ssyncset.done $0x0  }
0xa2: {  	[sflag:s22] =	ssyncadd.s32 s6;
	_ =	sdelay $0x1  }
0xa3: {  	s23 =	simm.s32 $0x1B8B  }
0xa4: {  	_ =	swait.ge [sflag:s23], $0x1  }
0xa5: {  	[sflag:s23] =	ssyncset.done $0x0  }
0xa6: {  	s25 =	simm.s32 $0x1B8E;
	s24 =	sld [smem:$0x3FFE];
	[sflag:s23] =	ssyncadd.s32 $0xFFFFFFFF  }
0xa7: {  	s26 =	simm.s32 $execute0_lowered;
	[smem:$0x3FD2] =	sst s25  }
0xa8: {  	s7 =	sshll.u32 s26, $0x1;
	_ =	strace $0x80000046;
	[dreg:$0x1] =	wrdreg $0xFFFFFFFF  }
0xa9: {  	s28 =	simm.s32 $_size_execute0_lowered;
	s5 =	sadd.s32 s5, s7;
	[dreg:$0x0] =	wrdreg $0x0  }
0xaa: {  	s7 =	sshll.u32 s28, $0x1;
	[dreg:$0x2] =	wrdreg s5  }
0xab: {  	[dreg:$0x3] =	wrdreg s7  }
0xac: {  	[dreg:$0x4] =	wrdreg $0xC0  }
0xad: {  	_ =	task [dreg:s9], $0x5FFFF  }
0xae: {  	[dreg:$0x1] =	wrdreg $0xFFFFFFFF  }
0xaf: {  	[dreg:$0x0] =	wrdreg $0x60  }
0xb0: {  	[dreg:$0x2] =	wrdreg s2  }
0xb1: {  	[dreg:$0x3] =	wrdreg s24  }
0xb2: {  	[dreg:$0x4] =	wrdreg s18  }
0xb3: {  	[dreg:$0x5] =	wrdreg s4  }
0xb4: {  	[dreg:$0x6] =	wrdreg $0x9  }
0xb5: {  	_ =	task.clear_ibuf [dreg:s9], $0x7FFFF;
	_ =	strace $0x90000046  }
0xb6: {  	s29 =	simm.s32 $0x9;
	_ =	strace $0x80000048  }
0xb7: {  	_ =	swait.ge [sflag:s29], $0x1  }
0xb8: {  	[sflag:s29] =	ssyncadd.s32 $0xFFFFFFFF  }
0xb9: {  	_ =	strace $0x90000048  }
0xba: {  	_ =	sfence  }
0xbb: {  	s30 =	sld [smem:$0x0];
	_ =	sdelay $0x2  }
0xbc: {  	s31 =	sshll.u32 s1, $0xD;
	s1 =	sshrl.u32 s1, $0x2  }
0xbd: {  	s3 =	sand.u32 $0x4000, s31;
	s1 =	sadd.s32 s1, s30  }
0xbe: {  	s0 =	sor.u32 s3, s0;
	s1 =	sshll.u32 s1, $0x11  }
0xbf: {  	s0 =	sor.u32 s1, s0  }
0xc0: {  	s0 =	sadd.s32 $0x8F2B, s0  }
0xc1: {  	[sflag:s0] =	ssyncadd.remote.s32 $0x1  }
0xc2: {  	_ =	sfence.sel $0xFFFF  }
0xc3: {  	[dreg:$0x0] =	wrdreg $0xFFFFFFFF;
	(pc) =	sbr.abs _section_cstart, $3  }
0xc4: {  	[dreg:$0x1] =	wrdreg $0xFFFFFFFF  }
0xc5: {  	_ =	task.clear_ibuf [dreg:s9], $0x2FFFF;
	_ =	strace $0x9FFFFFFF  }
0xc6: {  	(tm) =	ssettm $0x7FFFFFFF  }
0xc7: {  	_ =	shalt  }
tec
execute0_lowered:
.L_overlay_start_1:
0x0: {  	(tag) =	ssettag $0x1  }
0x1: {  	s0 =	rddreg [dreg:$0x1]  }
0x2: {  	s2 =	rddreg [dreg:$0x2];
	s3 =	simm.s32 $0x0;
	s1 =	srdreg.scid  }
0x3: {  	s5 =	stileid.u32;
	s12 =	simm.s32 $0x2;
	s17 =	simm.s32 $0xA080  }
0x4: {  	s18 =	simm.s32 $0xA880;
	s19 =	simm.s32 $0xB080;
	s20 =	simm.s32 $0xB880  }
0x5: {  	s21 =	simm.s32 $0xC080;
	s22 =	simm.s32 $0xC880;
	s23 =	simm.s32 $0xD080  }
0x6: {  	s24 =	simm.s32 $0xD880;
	s28 =	simm.s32 $0xF080;
	s29 =	simm.s32 $0xF880  }
0x7: {  	s30 =	simm.s32 $0x80;
	s31 =	simm.s32 $0x1;
	s11 =	simm.s32 $0x0  }
0x8: {  	[smem:$0x7FF] =	sst s3;
	s1 =	sand.u32 $0x1, s1;
	s5 =	sshll.u32 s5, $0xB  }
0x9: {  	s6 =	sadd.s32 $0x400, s0;
	s8 =	sadd.s32 $0x100, s2;
	s25 =	ssub.s32 $0x2, s1  }
0xa: {  	s9 =	sadd.s32 $0x200, s2;
	s10 =	sadd.s32 $0x300, s2;
	s4 =	sshrl.u32 s25, $0x1  }
0xb: {  	v2 =	vlaneseq.u32;
	_ =	strace $0x80000047;
	s1 =	sshll.u32 s1, $0xA;
	s26 =	ssub.s32 s25, s4  }
0xc: {  	vm0 =	vmmov $0xffff;
	v1 =	vshrl.u32 v2, $0x3;
	s7 =	sor.u32 s1, s5;
	s1 =	simm.s32 $0x0;
	s0 =	smax.u32 s26, $0x1  }
0xd: {  	v0 =	vand.u32 $0x7, v2;
	v2 =	vor.u32 $0x8, v2;
	v1 =	vmul.u32 $0x8, v1;
	s25 =	simm.s32 $0xE080;
	s26 =	simm.s32 $0xE880;
	[dreg:$0x5] =	wrdreg s0  }
.LBB2_1:
0xe: {  	[dreg:$0x6] =	wrdreg s1;
	s5 =	simm.s32 $0x0  }
.LBB2_2:
0xf: {  	s0 =	sshll.u32 s5, $0x5  }
0x10: {  	s0 =	sadd.s32 s7, s0  }
0x11: {  	s1 =	sshrl.u32 s0, $0x3  }
0x12: {  	s1 =	sadd.s32 s6, s1  }
0x13: {  	[tilespmem:s11], [sflag:$0x2] =	stream.linear.gather [hbm4b:s1+s11], $0x20, $0x38;
	[tilespmem:$0x10080] =	vst v63  }
0x14: {  	_ =	swait.ge [sflag:s12], $0x20  }
0x15: {  	[sflag:s12] =	ssyncset.done $0x0  }
0x16: {  	[sflag:s12] =	ssyncadd.s32 $0xFFFFFFE0  }
0x17: {  	v3 =	vld [tilespmem:$0x0];
	_ =	sdelay $0x4  }
0x18: {  	v4 =	vshll.u32 v3, $0x3  }
0x19: {  	v3 =	vand.u32 $0x7, v3;
	v4 =	vand.u32 $0xFFFFFFC0, v4  }
0x1a: {  	v3 =	vor.u32 v3, v4  }
0x1b: {  	v4 =	vperm.xlane v3, v0;
	_ =	sdelay $0x1  }
0x1c: {  	v4 =	vadd.s32 v1, v4;
	_ =	sdelay $0x3  }
0x1d: {  	s4 =	simm.s32 $0x8080  }
0x1e: {  	[tilespmem:s4], [sflag:$0x1] =	stream.indirect_vreg.gather [hbm4b:s2+s11], $0x80, v4, vm0, $0xb8;
	[tilespmem:$0x10080] =	vst v63  }
0x1f: {  	s13 =	simm.s32 $0x8880;
	v3 =	vperm.xlane v3, v2  }
0x20: {  	[tilespmem:s13], [sflag:$0x1] =	stream.indirect_vreg.gather [hbm4b:s8+s11], $0x80, v4, vm0, $0xb8;
	[tilespmem:$0x10080] =	vst v63  }
0x21: {  	s14 =	simm.s32 $0x9080;
	v3 =	vadd.s32 v1, v3  }
0x22: {  	[tilespmem:s14], [sflag:$0x1] =	stream.indirect_vreg.gather [hbm4b:s9+s11], $0x80, v4, vm0, $0xb8;
	[tilespmem:$0x10080] =	vst v63  }
0x23: {  	s15 =	simm.s32 $0x9880  }
0x24: {  	[tilespmem:s15], [sflag:$0x1] =	stream.indirect_vreg.gather [hbm4b:s10+s11], $0x80, v4, vm0, $0xb8;
	[tilespmem:$0x10080] =	vst v63  }
0x25: {  	_ = 	snop  }
0x26: {  	[tilespmem:s17], [sflag:$0x1] =	stream.indirect_vreg.gather [hbm4b:s2+s11], $0x80, v3, vm0, $0xb8;
	[tilespmem:$0x10080] =	vst v63  }
0x27: {  	_ = 	snop  }
0x28: {  	[tilespmem:s18], [sflag:$0x1] =	stream.indirect_vreg.gather [hbm4b:s8+s11], $0x80, v3, vm0, $0xb8;
	[tilespmem:$0x10080] =	vst v63  }
0x29: {  	_ = 	snop  }
0x2a: {  	[tilespmem:s19], [sflag:$0x1] =	stream.indirect_vreg.gather [hbm4b:s9+s11], $0x80, v3, vm0, $0xb8;
	[tilespmem:$0x10080] =	vst v63  }
0x2b: {  	_ = 	snop  }
0x2c: {  	[tilespmem:s20], [sflag:$0x1] =	stream.indirect_vreg.gather [hbm4b:s10+s11], $0x80, v3, vm0, $0xb8;
	[tilespmem:$0x10080] =	vst v63  }
0x2d: {  	v3 =	vld [tilespmem:$0x10];
	_ =	sdelay $0x4  }
0x2e: {  	v63 =	vshll.u32 v3, $0x3  }
0x2f: {  	v3 =	vand.u32 $0x7, v3;
	v4 =	vand.u32 $0xFFFFFFC0, v63  }
0x30: {  	v3 =	vor.u32 v3, v4  }
0x31: {  	v4 =	vperm.xlane v3, v0;
	_ =	sdelay $0x1  }
0x32: {  	v4 =	vadd.s32 v1, v4;
	_ =	sdelay $0x4  }
0x33: {  	[tilespmem:s21], [sflag:$0x1] =	stream.indirect_vreg.gather [hbm4b:s2+s11], $0x80, v4, vm0, $0xb8;
	[tilespmem:$0x10080] =	vst v63  }
0x34: {  	v3 =	vperm.xlane v3, v2  }
0x35: {  	[tilespmem:s22], [sflag:$0x1] =	stream.indirect_vreg.gather [hbm4b:s8+s11], $0x80, v4, vm0, $0xb8;
	[tilespmem:$0x10080] =	vst v63  }
0x36: {  	v3 =	vadd.s32 v1, v3  }
0x37: {  	[tilespmem:s23], [sflag:$0x1] =	stream.indirect_vreg.gather [hbm4b:s9+s11], $0x80, v4, vm0, $0xb8;
	[tilespmem:$0x10080] =	vst v63  }
0x38: {  	_ = 	snop  }
0x39: {  	[tilespmem:s24], [sflag:$0x1] =	stream.indirect_vreg.gather [hbm4b:s10+s11], $0x80, v4, vm0, $0xb8;
	[tilespmem:$0x10080] =	vst v63  }
0x3a: {  	_ = 	snop  }
0x3b: {  	[tilespmem:s25], [sflag:$0x1] =	stream.indirect_vreg.gather [hbm4b:s2+s11], $0x80, v3, vm0, $0xb8;
	[tilespmem:$0x10080] =	vst v63  }
0x3c: {  	_ = 	snop  }
0x3d: {  	[tilespmem:s26], [sflag:$0x1] =	stream.indirect_vreg.gather [hbm4b:s8+s11], $0x80, v3, vm0, $0xb8;
	[tilespmem:$0x10080] =	vst v63  }
0x3e: {  	_ = 	snop  }
0x3f: {  	[tilespmem:s28], [sflag:$0x1] =	stream.indirect_vreg.gather [hbm4b:s9+s11], $0x80, v3, vm0, $0xb8;
	[tilespmem:$0x10080] =	vst v63  }
0x40: {  	s0 =	sshll.u32 s0, $0x7;
	s16 =	rddreg [dreg:$0x0]  }
0x41: {  	[tilespmem:s29], [sflag:$0x1] =	stream.indirect_vreg.gather [hbm4b:s10+s11], $0x80, v3, vm0, $0xb8;
	[tilespmem:$0x10080] =	vst v63  }
0x42: {  	s1 =	sadd.s32 s16, s0  }
0x43: {  	[tilespmem:s30], [sflag:$0x2] =	stream.linear.gather [hbm4b:s1+s11], $0x8000, $0x38;
	[tilespmem:$0x10080] =	vst v63  }
0x44: {  	_ =	swait.ge [sflag:s12], $0x8000  }
0x45: {  	[sflag:s12] =	ssyncset.done $0x0  }
0x46: {  	[sflag:s12] =	ssyncadd.s32 $0xFFFF8000  }
0x47: {  	_ =	swait.ge [sflag:s31], $0x8000  }
0x48: {  	[sflag:s31] =	ssyncset.done $0x0  }
0x49: {  	s1 =	simm.s32 $0x0;
	[sflag:s31] =	ssyncadd.s32 $0xFFFF8000  }
.LBB2_3:
0x4a: {  	s3 =	sshll.u32 s1, $0xA;
	s4 =	sshll.u32 s1, $0x7  }
0x4b: {  	s3 =	sand.u32 $0x6000, s3;
	s4 =	sand.u32 $0x380, s4  }
0x4c: {  	s16 =	sand.u32 $0x1C00, s11;
	s3 =	sor.u32 s3, s4  }
0x4d: {  	s13 =	sand.u32 $0x70, s11;
	s4 =	sor.u32 s16, s3  }
0x4e: {  	s4 =	sor.u32 s13, s4  }
0x4f: {  	v3 =	vld [tilespmem:s4+$0x8080]  }
0x50: {  	v4 =	vld [tilespmem:s4+$0x80];
	_ =	sdelay $0x2  }
0x51: {  	s13 =	simm.s32 $0x80  }
0x52: {  	s14 =	simm.s32 $0x10;
	s16 =	sand.u32 $0x1C00, s13  }
0x53: {  	s15 =	sand.u32 $0x70, s14;
	s14 =	simm.s32 $0x20;
	s16 =	sor.u32 s16, s3;
	v3 =	vadd.f32 v3, v4  }
.LBB2_4:
0x54: {  	p0 =	sne.s32 s14, $0x3F0;
	s15 =	sor.u32 s15, s16  }
0x55: {  	v4 =	vld [tilespmem:s15+$0x8080];
	[tilespmem:s4+$0x80] =	vst v3;
	s4 =	smov.u32 s15  }
0x56: {  	v3 =	vld [tilespmem:s4+$0x80]  }
.Ltmp0:
0x57: {  	(pc) =	sbr.rel @p0 .LBB2_4-.Ltmp0, $4  }
0x58: {  	_ = 	snop  }
0x59: {  	s13 =	sadd.s32 $0x80, s13  }
0x5a: {  	s16 =	sand.u32 $0x1C00, s13  }
0x5b: {  	s15 =	sand.u32 $0x70, s14;
	s14 =	sadd.s32 $0x10, s14;
	s16 =	sor.u32 s16, s3;
	v3 =	vadd.f32 v4, v3  }
0x5c: {  	s3 =	sor.u32 s15, s16  }
0x5d: {  	v4 =	vld [tilespmem:s3+$0x8080];
	[tilespmem:s4+$0x80] =	vst v3  }
0x5e: {  	v3 =	vld [tilespmem:s3+$0x80]  }
0x5f: {  	s1 =	sadd.s32 $0x1, s1  }
0x60: {  	p0 =	sne.s32 s1, $0x20  }
.Ltmp1:
0x61: {  	_ = 	snop;
	(pc) =	sbr.rel @p0 .LBB2_3-.Ltmp1, $3  }
0x62: {  	_ = 	snop  }
0x63: {  	v3 =	vadd.f32 v4, v3;
	_ =	sdelay $0x1  }
0x64: {  	[tilespmem:s3+$0x80] =	vst v3  }
0x65: {  	s5 =	sadd.s32 $0x1, s5  }
0x66: {  	s1 =	rddreg [dreg:$0x3];
	p0 =	sne.s32 s5, $0x20  }
.Ltmp2:
0x67: {  	s16 =	simm.s32 $0x0;
	s0 =	sadd.s32 s1, s0;
	(pc) =	sbr.rel @p0 .LBB2_2-.Ltmp2, $4  }
0x68: {  	[hbm4b:s0+s16] =	stream.linear.scatter [tilespmem:s30], [sflag:$0x2], $0x8000, $0x38;
	[tilespmem:$0x10080] =	vst v63  }
0x69: {  	_ =	swait.ge [sflag:s12], $0x8000  }
0x6a: {  	[sflag:s12] =	ssyncset.done $0x0  }
0x6b: {  	[sflag:s12] =	ssyncadd.s32 $0xFFFF8000  }
0x6c: {  	s1 =	rddreg [dreg:$0x6]  }
0x6d: {  	s0 =	rddreg [dreg:$0x5];
	s1 =	sadd.s32 $0x1, s1  }
0x6e: {  	p0 =	sne.s32 s1, s0  }
.Ltmp3:
0x6f: {  	_ = 	snop;
	(pc) =	sbr.rel @p0 .LBB2_1-.Ltmp3, $1  }
0x70: {  	_ =	sdelay $0x3  }
0x71: {  	_ =	sfence.sel $0x180000  }
0x72: {  	[bflag:$0x0] =	sbarrier.arrive $0xFFFF  }
0x73: {  	_ =	strace $0x90000047  }
0x74: {  	s0 =	stileid.u32;
	[bflag:$0x2] =	sbarrier.arrive $0xFFFF  }
0x75: {  	p0 =	sne.s32 s0, $0x0;
	s0 =	rddreg [dreg:$0x4]  }
0x76: {  	s0 =	sadd.s32 @!p0 $0x100000, s0  }
0x77: {  	[sflag:s0] =	ssyncadd.tile.s32 @!p0 $0x1;
	_ =	shalt  }
.Lfunc_end2:
_tile_overlayer_lowered:
.L_overlay_start_2:
0x78: {  	(tag) =	ssettag $0x2  }
0x79: {  	s0 =	rddreg [dreg:$0x0];
	s2 =	stileid.u32  }
0x7a: {  	s1 =	rddreg [dreg:$0x1];
	p0 =	sne.s32 s2, $0x0  }
0x7b: {  	s3 =	rddreg [dreg:$0x2];
	[bflag:$0x3] =	sbarrier.arrive $0xFFFF;
	s2 =	simm.s32 @!p0 $0x1C02  }
0x7c: {  	[timem:s3], [sflag:s2] =	dma.local @!p0 [hbm:s0], s1  }
0x7d: {  	s0 =	simm.s32 @!p0 $0x2  }
0x7e: {  	_ =	swait.ge @!p0 [sflag:s0], s1  }
0x7f: {  	s1 =	ssub.s32 @!p0 $0x0, s1;
	[sflag:s0] =	ssyncset.done @!p0 $0x0  }
0x80: {  	[sflag:s0] =	ssyncadd.s32 @!p0 s1  }
0x81: {  	[bflag:$0x3] =	sbarrier.arrive $0xFFFF  }
0x82: {  	_ =	shalt  }

</sc_bundles>
